<compile_context>
chip_gen: v7x
topology: tpu7x:2x2x1
jax: 0.10.2.dev20260603
libtpu: 0.0.44.dev20260713+nightly
codegen_flags: <defaults>
</compile_context>

<pallas_src>
import functools

import jax
import jax.numpy as jnp
from jax import lax
from jax.experimental import pallas as pl
from jax.experimental.pallas import tpu as pltpu
from jax.experimental.pallas import tpu_sc as plsc

SLOPE = 0.2
LANES = 16


def _proj_body(nodes_ref, ww_ref, wb_ref, ap_ref, bias_ref, ei_ref,
               scal3_ref, alpha_ref, beta_ref, s_ref, src_ref, dst_ref):
    h = lax.dot_general(nodes_ref[...], ww_ref[...], (((1,), (1,)), ((), ())),
                        preferred_element_type=jnp.float32)
    h = h + wb_ref[...]
    scal = lax.dot_general(ap_ref[...], h, (((1,), (1,)), ((), ())),
                           preferred_element_type=jnp.float32) + bias_ref[...]
    n = scal.shape[1]
    scal3_ref[...] = scal
    alpha_ref[...] = scal[0:1, :].reshape(n)
    beta_ref[...] = scal[1:2, :].reshape(n)
    s_ref[...] = scal[2:3, :].reshape(n)
    e = ei_ref.shape[1]
    src_ref[...] = ei_ref[0:1, :].reshape(e)
    dst_ref[...] = ei_ref[1:2, :].reshape(e)


def _node_scalars(nodes, w_w, w_b, a_w, a_b, edge_index):
    n, d_in = nodes.shape
    d_out = w_w.shape[0]
    e = edge_index.shape[1]
    a_pad = (jnp.zeros((8, d_out), jnp.float32)
             .at[0].set(a_w[0, :d_out])
             .at[1].set(a_w[0, d_out:])
             .at[2].set(1.0))
    bias = jnp.zeros((8, 1), jnp.float32).at[0, 0].set(a_b[0])
    return pl.pallas_call(
        _proj_body,
        out_shape=[
            jax.ShapeDtypeStruct((8, n), jnp.float32),
            jax.ShapeDtypeStruct((n,), jnp.float32),
            jax.ShapeDtypeStruct((n,), jnp.float32),
            jax.ShapeDtypeStruct((n,), jnp.float32),
            jax.ShapeDtypeStruct((e,), jnp.int32),
            jax.ShapeDtypeStruct((e,), jnp.int32),
        ],
    )(nodes, w_w, w_b.reshape(1, d_out), a_pad, bias, edge_index)


def _edge_partials(alpha, beta, s, src, dst):
    n = alpha.shape[0]
    e = src.shape[0]
    info = plsc.get_sparse_core_info()
    nc, ns = info.num_cores, info.num_subcores
    nw = nc * ns
    ept = e // nw

    def body(alpha_hbm, beta_hbm, s_hbm, src_hbm, dst_hbm, out_hbm,
             alpha_v, beta_v, s_v, src_v, dst_v, w_v, wsv_v, num_v, den_v,
             sem):
        wid = lax.axis_index("s") * nc + lax.axis_index("c")
        base = wid * ept
        copies = [
            pltpu.async_copy(alpha_hbm, alpha_v, sem),
            pltpu.async_copy(beta_hbm, beta_v, sem),
            pltpu.async_copy(s_hbm, s_v, sem),
            pltpu.async_copy(src_hbm.at[pl.ds(base, ept)], src_v, sem),
            pltpu.async_copy(dst_hbm.at[pl.ds(base, ept)], dst_v, sem),
        ]

        zeros = jnp.zeros((LANES,), jnp.float32)

        @plsc.parallel_loop(0, n, step=LANES, unroll=4)
        def _(i):
            sl = pl.ds(i, LANES)
            num_v[sl] = zeros
            den_v[sl] = zeros

        for cp in copies:
            cp.wait()

        @plsc.parallel_loop(0, ept, step=LANES, unroll=4)
        def _(g):
            sl = pl.ds(g, LANES)
            ss = src_v[sl]
            a = plsc.load_gather(alpha_v, [dst_v[sl]])
            b = plsc.load_gather(beta_v, [ss])
            sv = plsc.load_gather(s_v, [ss])
            t = a + b
            w = jnp.exp(jnp.maximum(t, t * SLOPE))
            w_v[sl] = w
            wsv_v[sl] = w * sv

        acc_u = 5

        def acc_body(g, carry):
            base_e = g * (acc_u * LANES)
            for u in range(acc_u):
                sl = pl.ds(base_e + u * LANES, LANES)
                dd = dst_v[sl]
                plsc.addupdate_scatter(den_v, [dd], w_v[sl])
                plsc.addupdate_scatter(num_v, [dd], wsv_v[sl])
            return carry

        lax.fori_loop(0, ept // (acc_u * LANES), acc_body, 0)

        o1 = pltpu.async_copy(num_v, out_hbm.at[wid], sem)
        o2 = pltpu.async_copy(den_v, out_hbm.at[nw + wid], sem)
        o1.wait()
        o2.wait()

    run = functools.partial(
        pl.kernel,
        mesh=plsc.VectorSubcoreMesh(core_axis_name="c", subcore_axis_name="s"),
        compiler_params=pltpu.CompilerParams(needs_layout_passes=False),
        out_type=jax.ShapeDtypeStruct((2 * nw, n), jnp.float32),
        scratch_types=[
            pltpu.VMEM((n,), jnp.float32),
            pltpu.VMEM((n,), jnp.float32),
            pltpu.VMEM((n,), jnp.float32),
            pltpu.VMEM((ept,), jnp.int32),
            pltpu.VMEM((ept,), jnp.int32),
            pltpu.VMEM((ept,), jnp.float32),
            pltpu.VMEM((ept,), jnp.float32),
            pltpu.VMEM((n,), jnp.float32),
            pltpu.VMEM((n,), jnp.float32),
            pltpu.SemaphoreType.DMA,
        ],
    )(body)
    return run(alpha, beta, s, src, dst)


def _final_body(part_ref, scal_ref, seln_ref, seld_ref, e0_ref, e1_ref, e2_ref,
                out_ref):
    p = part_ref[...]
    sc = scal_ref[...]
    dims = (((0,), (0,)), ((), ()))
    numer = lax.dot_general(p, seln_ref[...], dims,
                            preferred_element_type=jnp.float32)
    denom = lax.dot_general(p, seld_ref[...], dims,
                            preferred_element_type=jnp.float32)
    alpha = lax.dot_general(sc, e0_ref[...], dims,
                            preferred_element_type=jnp.float32)
    beta = lax.dot_general(sc, e1_ref[...], dims,
                           preferred_element_type=jnp.float32)
    s = lax.dot_general(sc, e2_ref[...], dims,
                        preferred_element_type=jnp.float32)
    t = alpha + beta
    w = jnp.exp(jnp.maximum(t, t * SLOPE))
    r = (numer + w * s) / (denom + w)
    out_ref[...] = jnp.broadcast_to(r, out_ref.shape)


def _finalize(partials, scalars, d_out):
    two_nw, n = partials.shape
    nw = two_nw // 2
    row = jnp.arange(two_nw, dtype=jnp.int32)[:, None]
    seln = (row < nw).astype(jnp.float32)
    seld = (row >= nw).astype(jnp.float32)
    row8 = jnp.arange(8, dtype=jnp.int32)[:, None]
    e0 = (row8 == 0).astype(jnp.float32)
    e1 = (row8 == 1).astype(jnp.float32)
    e2 = (row8 == 2).astype(jnp.float32)
    return pl.pallas_call(
        _final_body,
        out_shape=jax.ShapeDtypeStruct((n, d_out), jnp.float32),
    )(partials, scalars, seln, seld, e0, e1, e2)


def kernel(nodes, edge_index, w_w, w_b, a_w, a_b):
    d_out = w_w.shape[0]
    scal3, alpha, beta, s, src, dst = _node_scalars(
        nodes, w_w, w_b, a_w, a_b, edge_index)
    partials = _edge_partials(alpha, beta, s, src, dst)
    return _finalize(partials, scal3, d_out)

# --- scband reference (transcript-rebuilt; emitter-appended) ---
"""Pipeline reference for scband-graph-attention-head-18090402250828 (READ-ONLY COPY).

The authoritative reference and input builder live on the scoring server;
editing this copy changes nothing except your own understanding.
"""

import jax, jax.numpy as jnp
import numpy as np

N = 10000
E = 320000
D_IN = 128
D_OUT = 128
SLOPE = 0.2


def setup_inputs(seed: int = 0) -> dict:
    key = jax.random.key(seed)
    k1, k2, k3, k4 = jax.random.split(key, 4)
    nodes = jax.random.normal(k1, (N, D_IN), dtype=jnp.float32)
    edge_index = jax.random.randint(k2, (2, E), 0, N, dtype=jnp.int32)
    # learned params of the module: self.w = Linear(D_IN, D_OUT), self.a = Linear(2*D_OUT, 1)
    w_w = jax.random.normal(k3, (D_OUT, D_IN), dtype=jnp.float32) * 0.05
    w_b = jnp.zeros((D_OUT,), dtype=jnp.float32)
    a_w = jax.random.normal(k4, (1, 2 * D_OUT), dtype=jnp.float32) * 0.05
    a_b = jnp.zeros((1,), dtype=jnp.float32)
    return {"nodes": nodes, "edge_index": edge_index, "w_w": w_w, "w_b": w_b, "a_w": a_w, "a_b": a_b}


def reference(nodes, edge_index, w_w, w_b, a_w, a_b):
    # h = W(nodes)
    h = nodes @ w_w.T + w_b
    n = h.shape[0]
    # the torch loop appends the current node to its own neighbor list (self-loop)
    loops = jnp.arange(n, dtype=edge_index.dtype)
    src = jnp.concatenate([edge_index[0], loops])  # neighbor j
    dst = jnp.concatenate([edge_index[1], loops])  # current node i
    h_dst = h[dst]
    h_src = h[src]
    # _get_top: exp(LeakyReLU(a(cat(h_i, h_j))))
    cat = jnp.concatenate([h_dst, h_src], axis=-1)
    logit = cat @ a_w.T + a_b  # [E', 1]
    e = jnp.exp(jax.nn.leaky_relu(logit, negative_slope=SLOPE))  # [E', 1]
    # _get_new_node_info: bottom = sum(top_list); x = stack(top*h_j)/bottom; return sum(x)
    denom = jax.ops.segment_sum(e[:, 0], dst, num_segments=n)  # [N]
    msg = e * h_src  # [E', D_OUT]
    agg = jax.ops.segment_sum(msg, dst, num_segments=n)  # [N, D_OUT]
    agg = agg / denom[:, None]
    # torch.sum(x) sums over neighbors AND feature dim -> scalar per node,
    # then new_nodes[i] = scalar broadcasts across the row
    row_scalar = jnp.sum(agg, axis=-1)  # [N]
    new_nodes = jnp.broadcast_to(row_scalar[:, None], h.shape)
    return new_nodes

if __name__ == "__main__":
    import jax
    _d = setup_inputs()
    print(jax.jit(kernel)(*tuple(_d.values())))

</pallas_src>

<mosaic_0001>
#map = affine_map<(d0, d1) -> (0)>
#map1 = affine_map<(d0, d1) -> (0, 0)>
module attributes {stable_mosaic.version = 14 : i64} {
  func.func @body(%arg0: i32, %arg1: i32, %arg2: memref<10000xf32, #tpu.memory_space<hbm>>, %arg3: memref<10000xf32, #tpu.memory_space<hbm>>, %arg4: memref<10000xf32, #tpu.memory_space<hbm>>, %arg5: memref<320000xi32, #tpu.memory_space<hbm>>, %arg6: memref<320000xi32, #tpu.memory_space<hbm>>, %arg7: memref<64x10000xf32, #tpu.memory_space<hbm>>, %arg8: memref<10000xf32, #tpu.memory_space<vmem>>, %arg9: memref<10000xf32, #tpu.memory_space<vmem>>, %arg10: memref<10000xf32, #tpu.memory_space<vmem>>, %arg11: memref<10000xi32, #tpu.memory_space<vmem>>, %arg12: memref<10000xi32, #tpu.memory_space<vmem>>, %arg13: memref<10000xf32, #tpu.memory_space<vmem>>, %arg14: memref<10000xf32, #tpu.memory_space<vmem>>, %arg15: memref<10000xf32, #tpu.memory_space<vmem>>, %arg16: memref<10000xf32, #tpu.memory_space<vmem>>, %arg17: memref<!tpu.dma_semaphore, #tpu.memory_space<semaphore_mem>>) attributes {dimension_semantics = [#tpu.dimension_semantics<core_parallel>, #tpu.dimension_semantics<subcore_parallel>], iteration_bounds = array<i64: 2, 16>, scalar_prefetch = 0 : i64, scratch_operands = 10 : i64, tpu.core_type = #tpu.core_type<sc_vector_subcore>, window_params = [{transform_indices = #map}, {transform_indices = #map}, {transform_indices = #map}, {transform_indices = #map}, {transform_indices = #map}, {transform_indices = #map1}]} {
    %mul3A = arith.constant 2 : i32
    %mul3A_0 = arith.muli %arg1, %mul3A : i32
    %add3A = arith.addi %mul3A_0, %arg0 : i32
    %mul3A_1 = arith.constant 10000 : i32
    %mul3A_2 = arith.muli %add3A, %mul3A_1 : i32
    tpu.enqueue_dma source(%arg2 : memref<10000xf32, #tpu.memory_space<hbm>>) target(%arg8 : memref<10000xf32, #tpu.memory_space<vmem>>) target_semaphore(%arg17 : memref<!tpu.dma_semaphore, #tpu.memory_space<semaphore_mem>>)
    tpu.enqueue_dma source(%arg3 : memref<10000xf32, #tpu.memory_space<hbm>>) target(%arg9 : memref<10000xf32, #tpu.memory_space<vmem>>) target_semaphore(%arg17 : memref<!tpu.dma_semaphore, #tpu.memory_space<semaphore_mem>>)
    tpu.enqueue_dma source(%arg4 : memref<10000xf32, #tpu.memory_space<hbm>>) target(%arg10 : memref<10000xf32, #tpu.memory_space<vmem>>) target_semaphore(%arg17 : memref<!tpu.dma_semaphore, #tpu.memory_space<semaphore_mem>>)
    %dma_start3A = tpu.memref_slice %arg5[%mul3A_2] : memref<320000xi32, #tpu.memory_space<hbm>> -> memref<10000xi32, #tpu.memory_space<hbm>>
    %dma_start3A_3 = tpu.memref_slice %arg5[%mul3A_2] : memref<320000xi32, #tpu.memory_space<hbm>> -> memref<10000xi32, #tpu.memory_space<hbm>>
    tpu.enqueue_dma source(%dma_start3A_3 : memref<10000xi32, #tpu.memory_space<hbm>>) target(%arg11 : memref<10000xi32, #tpu.memory_space<vmem>>) target_semaphore(%arg17 : memref<!tpu.dma_semaphore, #tpu.memory_space<semaphore_mem>>)
    %dma_start3A_4 = tpu.memref_slice %arg6[%mul3A_2] : memref<320000xi32, #tpu.memory_space<hbm>> -> memref<10000xi32, #tpu.memory_space<hbm>>
    %dma_start3A_5 = tpu.memref_slice %arg6[%mul3A_2] : memref<320000xi32, #tpu.memory_space<hbm>> -> memref<10000xi32, #tpu.memory_space<hbm>>
    tpu.enqueue_dma source(%dma_start3A_5 : memref<10000xi32, #tpu.memory_space<hbm>>) target(%arg12 : memref<10000xi32, #tpu.memory_space<vmem>>) target_semaphore(%arg17 : memref<!tpu.dma_semaphore, #tpu.memory_space<semaphore_mem>>)
    %broadcast_in_dim3A = arith.constant 0.000000e+00 : f32
    %broadcast_in_dim3A_6 = vector.broadcast %broadcast_in_dim3A : f32 to vector<16xf32>
    %parallel_loop3A = arith.constant 0 : i32
    %parallel_loop3A_7 = arith.constant 10000 : i32
    %parallel_loop3A_8 = arith.constant 16 : i32
    scf.for %parallel_loop3A_46 = %parallel_loop3A to %parallel_loop3A_7 step %parallel_loop3A_8  : i32 {
      %parallel_loop3A_47 = arith.index_cast %parallel_loop3A_46 : i32 to index
      %parallel_loop3A_48 = tpu.vector_load %arg15[%parallel_loop3A_47] {strides = array<i32>} : memref<10000xf32, #tpu.memory_space<vmem>>, vector<16xf32>,
      tpu.vector_store %arg15[%parallel_loop3A_47], %broadcast_in_dim3A_6 {strides = array<i32>} : memref<10000xf32, #tpu.memory_space<vmem>>, vector<16xf32>,
      %parallel_loop3A_49 = arith.index_cast %parallel_loop3A_46 : i32 to index
      %parallel_loop3A_50 = tpu.vector_load %arg16[%parallel_loop3A_49] {strides = array<i32>} : memref<10000xf32, #tpu.memory_space<vmem>>, vector<16xf32>,
      tpu.vector_store %arg16[%parallel_loop3A_49], %broadcast_in_dim3A_6 {strides = array<i32>} : memref<10000xf32, #tpu.memory_space<vmem>>, vector<16xf32>,
    } {sc.loop_unroll_factor = 4 : i64, sc.parallel_access}
    tpu.wait_dma2 semaphore(%arg17 : memref<!tpu.dma_semaphore, #tpu.memory_space<semaphore_mem>>) src(%arg2 : memref<10000xf32, #tpu.memory_space<hbm>>) dst(%arg8 : memref<10000xf32, #tpu.memory_space<vmem>>)
    tpu.wait_dma2 semaphore(%arg17 : memref<!tpu.dma_semaphore, #tpu.memory_space<semaphore_mem>>) src(%arg3 : memref<10000xf32, #tpu.memory_space<hbm>>) dst(%arg9 : memref<10000xf32, #tpu.memory_space<vmem>>)
    tpu.wait_dma2 semaphore(%arg17 : memref<!tpu.dma_semaphore, #tpu.memory_space<semaphore_mem>>) src(%arg4 : memref<10000xf32, #tpu.memory_space<hbm>>) dst(%arg10 : memref<10000xf32, #tpu.memory_space<vmem>>)
    %dma_wait3A = tpu.memref_slice %arg5[%mul3A_2] : memref<320000xi32, #tpu.memory_space<hbm>> -> memref<10000xi32, #tpu.memory_space<hbm>>
    %dma_wait3A_9 = tpu.memref_slice %arg5[%mul3A_2] : memref<320000xi32, #tpu.memory_space<hbm>> -> memref<10000xi32, #tpu.memory_space<hbm>>
    tpu.wait_dma2 semaphore(%arg17 : memref<!tpu.dma_semaphore, #tpu.memory_space<semaphore_mem>>) src(%dma_wait3A_9 : memref<10000xi32, #tpu.memory_space<hbm>>) dst(%arg11 : memref<10000xi32, #tpu.memory_space<vmem>>)
    %dma_wait3A_10 = tpu.memref_slice %arg6[%mul3A_2] : memref<320000xi32, #tpu.memory_space<hbm>> -> memref<10000xi32, #tpu.memory_space<hbm>>
    %dma_wait3A_11 = tpu.memref_slice %arg6[%mul3A_2] : memref<320000xi32, #tpu.memory_space<hbm>> -> memref<10000xi32, #tpu.memory_space<hbm>>
    tpu.wait_dma2 semaphore(%arg17 : memref<!tpu.dma_semaphore, #tpu.memory_space<semaphore_mem>>) src(%dma_wait3A_11 : memref<10000xi32, #tpu.memory_space<hbm>>) dst(%arg12 : memref<10000xi32, #tpu.memory_space<vmem>>)
    %parallel_loop3A_12 = arith.constant 0 : i32
    %parallel_loop3A_13 = arith.constant 10000 : i32
    %parallel_loop3A_14 = arith.constant 16 : i32
    scf.for %parallel_loop3A_46 = %parallel_loop3A_12 to %parallel_loop3A_13 step %parallel_loop3A_14  : i32 {
      %parallel_loop3A_47 = arith.index_cast %parallel_loop3A_46 : i32 to index
      %parallel_loop3A_48 = tpu.vector_load %arg11[%parallel_loop3A_47] {strides = array<i32>} : memref<10000xi32, #tpu.memory_space<vmem>>, vector<16xi32>,
      %parallel_loop3A_49 = arith.index_cast %parallel_loop3A_46 : i32 to index
      %parallel_loop3A_50 = tpu.vector_load %arg12[%parallel_loop3A_49] {strides = array<i32>} : memref<10000xi32, #tpu.memory_space<vmem>>, vector<16xi32>,
      %parallel_loop3A_51 = tpu.vector_load_idx %arg8[%parallel_loop3A_50] : memref<10000xf32, #tpu.memory_space<vmem>>[vector<16xi32>], vector<16xf32>,
      %parallel_loop3A_52 = tpu.vector_load_idx %arg9[%parallel_loop3A_48] : memref<10000xf32, #tpu.memory_space<vmem>>[vector<16xi32>], vector<16xf32>,
      %parallel_loop3A_53 = tpu.vector_load_idx %arg10[%parallel_loop3A_48] : memref<10000xf32, #tpu.memory_space<vmem>>[vector<16xi32>], vector<16xf32>,
      %parallel_loop3A_54 = arith.addf %parallel_loop3A_51, %parallel_loop3A_52 : vector<16xf32>
      %parallel_loop3A_55 = arith.constant 2.000000e-01 : f32
      %parallel_loop3A_56 = vector.broadcast %parallel_loop3A_55 : f32 to vector<16xf32>
      %parallel_loop3A_57 = arith.mulf %parallel_loop3A_54, %parallel_loop3A_56 : vector<16xf32>
      %parallel_loop3A_58 = arith.maximumf %parallel_loop3A_54, %parallel_loop3A_57 : vector<16xf32>
      %parallel_loop3A_59 = math.exp %parallel_loop3A_58 : vector<16xf32>
      %parallel_loop3A_60 = arith.index_cast %parallel_loop3A_46 : i32 to index
      %parallel_loop3A_61 = tpu.vector_load %arg13[%parallel_loop3A_60] {strides = array<i32>} : memref<10000xf32, #tpu.memory_space<vmem>>, vector<16xf32>,
      tpu.vector_store %arg13[%parallel_loop3A_60], %parallel_loop3A_59 {strides = array<i32>} : memref<10000xf32, #tpu.memory_space<vmem>>, vector<16xf32>,
      %parallel_loop3A_62 = arith.mulf %parallel_loop3A_59, %parallel_loop3A_53 : vector<16xf32>
      %parallel_loop3A_63 = arith.index_cast %parallel_loop3A_46 : i32 to index
      %parallel_loop3A_64 = tpu.vector_load %arg14[%parallel_loop3A_63] {strides = array<i32>} : memref<10000xf32, #tpu.memory_space<vmem>>, vector<16xf32>,
      tpu.vector_store %arg14[%parallel_loop3A_63], %parallel_loop3A_62 {strides = array<i32>} : memref<10000xf32, #tpu.memory_space<vmem>>, vector<16xf32>,
    } {sc.loop_unroll_factor = 4 : i64, sc.parallel_access}
    %scan3A = arith.constant 0 : i32
    %scan3A_15 = arith.constant 0 : i32
    %scan3A_16 = arith.constant 125 : i32
    %scan3A_17 = arith.addi %scan3A_15, %scan3A_16 : i32
    %scan3A_18 = arith.constant 1 : i32
    scf.for %scan3A_46 = %scan3A_15 to %scan3A_17 step %scan3A_18  : i32 {
      %mul3A_47 = arith.constant 80 : i32
      %mul3A_48 = arith.muli %scan3A_46, %mul3A_47 : i32
      %add3A_49 = arith.constant 0 : i32
      %add3A_50 = arith.addi %mul3A_48, %add3A_49 : i32
      %get3A = arith.index_cast %add3A_50 : i32 to index
      %get3A_51 = tpu.vector_load %arg12[%get3A] {strides = array<i32>} : memref<10000xi32, #tpu.memory_space<vmem>>, vector<16xi32>,
      %get3A_52 = arith.index_cast %add3A_50 : i32 to index
      %get3A_53 = tpu.vector_load %arg13[%get3A_52] {strides = array<i32>} : memref<10000xf32, #tpu.memory_space<vmem>>, vector<16xf32>,
      tpu.vector_store_idx %arg16[%get3A_51], %get3A_53 {add = true} : memref<10000xf32, #tpu.memory_space<vmem>>[vector<16xi32>], vector<16xf32>,
      %get3A_54 = arith.index_cast %add3A_50 : i32 to index
      %get3A_55 = tpu.vector_load %arg14[%get3A_54] {strides = array<i32>} : memref<10000xf32, #tpu.memory_space<vmem>>, vector<16xf32>,
      tpu.vector_store_idx %arg15[%get3A_51], %get3A_55 {add = true} : memref<10000xf32, #tpu.memory_space<vmem>>[vector<16xi32>], vector<16xf32>,
      %add3A_56 = arith.constant 16 : i32
      %add3A_57 = arith.addi %mul3A_48, %add3A_56 : i32
      %get3A_58 = arith.index_cast %add3A_57 : i32 to index
      %get3A_59 = tpu.vector_load %arg12[%get3A_58] {strides = array<i32>} : memref<10000xi32, #tpu.memory_space<vmem>>, vector<16xi32>,
      %get3A_60 = arith.index_cast %add3A_57 : i32 to index
      %get3A_61 = tpu.vector_load %arg13[%get3A_60] {strides = array<i32>} : memref<10000xf32, #tpu.memory_space<vmem>>, vector<16xf32>,
      tpu.vector_store_idx %arg16[%get3A_59], %get3A_61 {add = true} : memref<10000xf32, #tpu.memory_space<vmem>>[vector<16xi32>], vector<16xf32>,
      %get3A_62 = arith.index_cast %add3A_57 : i32 to index
      %get3A_63 = tpu.vector_load %arg14[%get3A_62] {strides = array<i32>} : memref<10000xf32, #tpu.memory_space<vmem>>, vector<16xf32>,
      tpu.vector_store_idx %arg15[%get3A_59], %get3A_63 {add = true} : memref<10000xf32, #tpu.memory_space<vmem>>[vector<16xi32>], vector<16xf32>,
      %add3A_64 = arith.constant 32 : i32
      %add3A_65 = arith.addi %mul3A_48, %add3A_64 : i32
      %get3A_66 = arith.index_cast %add3A_65 : i32 to index
      %get3A_67 = tpu.vector_load %arg12[%get3A_66] {strides = array<i32>} : memref<10000xi32, #tpu.memory_space<vmem>>, vector<16xi32>,
      %get3A_68 = arith.index_cast %add3A_65 : i32 to index
      %get3A_69 = tpu.vector_load %arg13[%get3A_68] {strides = array<i32>} : memref<10000xf32, #tpu.memory_space<vmem>>, vector<16xf32>,
      tpu.vector_store_idx %arg16[%get3A_67], %get3A_69 {add = true} : memref<10000xf32, #tpu.memory_space<vmem>>[vector<16xi32>], vector<16xf32>,
      %get3A_70 = arith.index_cast %add3A_65 : i32 to index
      %get3A_71 = tpu.vector_load %arg14[%get3A_70] {strides = array<i32>} : memref<10000xf32, #tpu.memory_space<vmem>>, vector<16xf32>,
      tpu.vector_store_idx %arg15[%get3A_67], %get3A_71 {add = true} : memref<10000xf32, #tpu.memory_space<vmem>>[vector<16xi32>], vector<16xf32>,
      %add3A_72 = arith.constant 48 : i32
      %add3A_73 = arith.addi %mul3A_48, %add3A_72 : i32
      %get3A_74 = arith.index_cast %add3A_73 : i32 to index
      %get3A_75 = tpu.vector_load %arg12[%get3A_74] {strides = array<i32>} : memref<10000xi32, #tpu.memory_space<vmem>>, vector<16xi32>,
      %get3A_76 = arith.index_cast %add3A_73 : i32 to index
      %get3A_77 = tpu.vector_load %arg13[%get3A_76] {strides = array<i32>} : memref<10000xf32, #tpu.memory_space<vmem>>, vector<16xf32>,
      tpu.vector_store_idx %arg16[%get3A_75], %get3A_77 {add = true} : memref<10000xf32, #tpu.memory_space<vmem>>[vector<16xi32>], vector<16xf32>,
      %get3A_78 = arith.index_cast %add3A_73 : i32 to index
      %get3A_79 = tpu.vector_load %arg14[%get3A_78] {strides = array<i32>} : memref<10000xf32, #tpu.memory_space<vmem>>, vector<16xf32>,
      tpu.vector_store_idx %arg15[%get3A_75], %get3A_79 {add = true} : memref<10000xf32, #tpu.memory_space<vmem>>[vector<16xi32>], vector<16xf32>,
      %add3A_80 = arith.constant 64 : i32
      %add3A_81 = arith.addi %mul3A_48, %add3A_80 : i32
      %get3A_82 = arith.index_cast %add3A_81 : i32 to index
      %get3A_83 = tpu.vector_load %arg12[%get3A_82] {strides = array<i32>} : memref<10000xi32, #tpu.memory_space<vmem>>, vector<16xi32>,
      %get3A_84 = arith.index_cast %add3A_81 : i32 to index
      %get3A_85 = tpu.vector_load %arg13[%get3A_84] {strides = array<i32>} : memref<10000xf32, #tpu.memory_space<vmem>>, vector<16xf32>,
      tpu.vector_store_idx %arg16[%get3A_83], %get3A_85 {add = true} : memref<10000xf32, #tpu.memory_space<vmem>>[vector<16xi32>], vector<16xf32>,
      %get3A_86 = arith.index_cast %add3A_81 : i32 to index
      %get3A_87 = tpu.vector_load %arg14[%get3A_86] {strides = array<i32>} : memref<10000xf32, #tpu.memory_space<vmem>>, vector<16xf32>,
      tpu.vector_store_idx %arg15[%get3A_83], %get3A_87 {add = true} : memref<10000xf32, #tpu.memory_space<vmem>>[vector<16xi32>], vector<16xf32>,
    }
    %scan3A_19 = arith.constant 125 : i32
    %dma_start3A_20 = arith.constant 0 : i32
    %dma_start3A_21 = tpu.memref_slice %arg7[%add3A, %dma_start3A_20] : memref<64x10000xf32, #tpu.memory_space<hbm>> -> memref<1x10000xf32, #tpu.memory_space<hbm>>
    %dma_start3A_22 = tpu.memref_squeeze %dma_start3A_21 : memref<1x10000xf32, #tpu.memory_space<hbm>> -> memref<10000xf32, #tpu.memory_space<hbm>>
    %dma_start3A_23 = arith.constant 0 : i32
    %dma_start3A_24 = tpu.memref_slice %arg7[%add3A, %dma_start3A_23] : memref<64x10000xf32, #tpu.memory_space<hbm>> -> memref<1x10000xf32, #tpu.memory_space<hbm>>
    %dma_start3A_25 = tpu.memref_squeeze %dma_start3A_24 : memref<1x10000xf32, #tpu.memory_space<hbm>> -> memref<10000xf32, #tpu.memory_space<hbm>>
    tpu.enqueue_dma source(%arg15 : memref<10000xf32, #tpu.memory_space<vmem>>) target(%dma_start3A_25 : memref<10000xf32, #tpu.memory_space<hbm>>) target_semaphore(%arg17 : memref<!tpu.dma_semaphore, #tpu.memory_space<semaphore_mem>>)
    %add3A_26 = arith.constant 32 : i32
    %add3A_27 = arith.addi %add3A_26, %add3A : i32
    %dma_start3A_28 = arith.constant 0 : i32
    %dma_start3A_29 = tpu.memref_slice %arg7[%add3A_27, %dma_start3A_28] : memref<64x10000xf32, #tpu.memory_space<hbm>> -> memref<1x10000xf32, #tpu.memory_space<hbm>>
    %dma_start3A_30 = tpu.memref_squeeze %dma_start3A_29 : memref<1x10000xf32, #tpu.memory_space<hbm>> -> memref<10000xf32, #tpu.memory_space<hbm>>
    %dma_start3A_31 = arith.constant 0 : i32
    %dma_start3A_32 = tpu.memref_slice %arg7[%add3A_27, %dma_start3A_31] : memref<64x10000xf32, #tpu.memory_space<hbm>> -> memref<1x10000xf32, #tpu.memory_space<hbm>>
    %dma_start3A_33 = tpu.memref_squeeze %dma_start3A_32 : memref<1x10000xf32, #tpu.memory_space<hbm>> -> memref<10000xf32, #tpu.memory_space<hbm>>
    tpu.enqueue_dma source(%arg16 : memref<10000xf32, #tpu.memory_space<vmem>>) target(%dma_start3A_33 : memref<10000xf32, #tpu.memory_space<hbm>>) target_semaphore(%arg17 : memref<!tpu.dma_semaphore, #tpu.memory_space<semaphore_mem>>)
    %dma_wait3A_34 = arith.constant 0 : i32
    %dma_wait3A_35 = tpu.memref_slice %arg7[%add3A, %dma_wait3A_34] : memref<64x10000xf32, #tpu.memory_space<hbm>> -> memref<1x10000xf32, #tpu.memory_space<hbm>>
    %dma_wait3A_36 = tpu.memref_squeeze %dma_wait3A_35 : memref<1x10000xf32, #tpu.memory_space<hbm>> -> memref<10000xf32, #tpu.memory_space<hbm>>
    %dma_wait3A_37 = arith.constant 0 : i32
    %dma_wait3A_38 = tpu.memref_slice %arg7[%add3A, %dma_wait3A_37] : memref<64x10000xf32, #tpu.memory_space<hbm>> -> memref<1x10000xf32, #tpu.memory_space<hbm>>
    %dma_wait3A_39 = tpu.memref_squeeze %dma_wait3A_38 : memref<1x10000xf32, #tpu.memory_space<hbm>> -> memref<10000xf32, #tpu.memory_space<hbm>>
    tpu.wait_dma2 semaphore(%arg17 : memref<!tpu.dma_semaphore, #tpu.memory_space<semaphore_mem>>) src(%arg15 : memref<10000xf32, #tpu.memory_space<vmem>>) dst(%dma_wait3A_39 : memref<10000xf32, #tpu.memory_space<hbm>>)
    %dma_wait3A_40 = arith.constant 0 : i32
    %dma_wait3A_41 = tpu.memref_slice %arg7[%add3A_27, %dma_wait3A_40] : memref<64x10000xf32, #tpu.memory_space<hbm>> -> memref<1x10000xf32, #tpu.memory_space<hbm>>
    %dma_wait3A_42 = tpu.memref_squeeze %dma_wait3A_41 : memref<1x10000xf32, #tpu.memory_space<hbm>> -> memref<10000xf32, #tpu.memory_space<hbm>>
    %dma_wait3A_43 = arith.constant 0 : i32
    %dma_wait3A_44 = tpu.memref_slice %arg7[%add3A_27, %dma_wait3A_43] : memref<64x10000xf32, #tpu.memory_space<hbm>> -> memref<1x10000xf32, #tpu.memory_space<hbm>>
    %dma_wait3A_45 = tpu.memref_squeeze %dma_wait3A_44 : memref<1x10000xf32, #tpu.memory_space<hbm>> -> memref<10000xf32, #tpu.memory_space<hbm>>
    tpu.wait_dma2 semaphore(%arg17 : memref<!tpu.dma_semaphore, #tpu.memory_space<semaphore_mem>>) src(%arg16 : memref<10000xf32, #tpu.memory_space<vmem>>) dst(%dma_wait3A_45 : memref<10000xf32, #tpu.memory_space<hbm>>)
    return
  }
}

module attributes {stable_mosaic.version = 14 : i64} {
  func.func @_final_body(%arg0: memref<64x10000xf32, #tpu.memory_space<vmem>>, %arg1: memref<8x10000xf32, #tpu.memory_space<vmem>>, %arg2: memref<64x1xf32, #tpu.memory_space<vmem>>, %arg3: memref<64x1xf32, #tpu.memory_space<vmem>>, %arg4: memref<8x1xf32, #tpu.memory_space<vmem>>, %arg5: memref<8x1xf32, #tpu.memory_space<vmem>>, %arg6: memref<8x1xf32, #tpu.memory_space<vmem>>, %arg7: memref<10000x128xf32, #tpu.memory_space<vmem>>) attributes {dimension_semantics = [], scalar_prefetch = 0 : i64, scratch_operands = 0 : i64, tpu.core_type = #tpu.core_type<tc>} {
    %get3A = arith.constant 0 : index
    %get3A_0 = arith.constant 0 : index
    %get3A_1 = vector.load %arg0[%get3A, %get3A_0] : memref<64x10000xf32, #tpu.memory_space<vmem>>, vector<64x10000xf32>
    %get3A_2 = arith.constant 0 : index
    %get3A_3 = arith.constant 0 : index
    %get3A_4 = vector.load %arg1[%get3A_2, %get3A_3] : memref<8x10000xf32, #tpu.memory_space<vmem>>, vector<8x10000xf32>
    %get3A_5 = arith.constant 0 : index
    %get3A_6 = arith.constant 0 : index
    %get3A_7 = vector.load %arg2[%get3A_5, %get3A_6] : memref<64x1xf32, #tpu.memory_space<vmem>>, vector<64x1xf32>
    %dot_general3A = arith.constant dense<0.000000e+00> : vector<10000x1xf32>
    %dot_general3A_8 = tpu.matmul %get3A_1, %get3A_7, %dot_general3A {dimension_numbers = #tpu.dot_dimension_numbers<[0], [0], [1], [1], [0, 1, 1, 1], [], []>, transpose_lhs_hint = false} : vector<64x10000xf32>, vector<64x1xf32>, vector<10000x1xf32> -> vector<10000x1xf32>
    %get3A_9 = arith.constant 0 : index
    %get3A_10 = arith.constant 0 : index
    %get3A_11 = vector.load %arg3[%get3A_9, %get3A_10] : memref<64x1xf32, #tpu.memory_space<vmem>>, vector<64x1xf32>
    %dot_general3A_12 = arith.constant dense<0.000000e+00> : vector<10000x1xf32>
    %dot_general3A_13 = tpu.matmul %get3A_1, %get3A_11, %dot_general3A_12 {dimension_numbers = #tpu.dot_dimension_numbers<[0], [0], [1], [1], [0, 1, 1, 1], [], []>, transpose_lhs_hint = false} : vector<64x10000xf32>, vector<64x1xf32>, vector<10000x1xf32> -> vector<10000x1xf32>
    %get3A_14 = arith.constant 0 : index
    %get3A_15 = arith.constant 0 : index
    %get3A_16 = vector.load %arg4[%get3A_14, %get3A_15] : memref<8x1xf32, #tpu.memory_space<vmem>>, vector<8x1xf32>
    %dot_general3A_17 = arith.constant dense<0.000000e+00> : vector<10000x1xf32>
    %dot_general3A_18 = tpu.matmul %get3A_4, %get3A_16, %dot_general3A_17 {dimension_numbers = #tpu.dot_dimension_numbers<[0], [0], [1], [1], [0, 1, 1, 1], [], []>, transpose_lhs_hint = false} : vector<8x10000xf32>, vector<8x1xf32>, vector<10000x1xf32> -> vector<10000x1xf32>
    %get3A_19 = arith.constant 0 : index
    %get3A_20 = arith.constant 0 : index
    %get3A_21 = vector.load %arg5[%get3A_19, %get3A_20] : memref<8x1xf32, #tpu.memory_space<vmem>>, vector<8x1xf32>
    %dot_general3A_22 = arith.constant dense<0.000000e+00> : vector<10000x1xf32>
    %dot_general3A_23 = tpu.matmul %get3A_4, %get3A_21, %dot_general3A_22 {dimension_numbers = #tpu.dot_dimension_numbers<[0], [0], [1], [1], [0, 1, 1, 1], [], []>, transpose_lhs_hint = false} : vector<8x10000xf32>, vector<8x1xf32>, vector<10000x1xf32> -> vector<10000x1xf32>
    %get3A_24 = arith.constant 0 : index
    %get3A_25 = arith.constant 0 : index
    %get3A_26 = vector.load %arg6[%get3A_24, %get3A_25] : memref<8x1xf32, #tpu.memory_space<vmem>>, vector<8x1xf32>
    %dot_general3A_27 = arith.constant dense<0.000000e+00> : vector<10000x1xf32>
    %dot_general3A_28 = tpu.matmul %get3A_4, %get3A_26, %dot_general3A_27 {dimension_numbers = #tpu.dot_dimension_numbers<[0], [0], [1], [1], [0, 1, 1, 1], [], []>, transpose_lhs_hint = false} : vector<8x10000xf32>, vector<8x1xf32>, vector<10000x1xf32> -> vector<10000x1xf32>
    %add3A = arith.addf %dot_general3A_18, %dot_general3A_23 : vector<10000x1xf32>
    %mul3A = arith.constant 2.000000e-01 : f32
    %mul3A_29 = vector.broadcast %mul3A : f32 to vector<10000x1xf32>
    %mul3A_30 = arith.mulf %add3A, %mul3A_29 : vector<10000x1xf32>
    %max3A = arith.maximumf %add3A, %mul3A_30 : vector<10000x1xf32>
    %exp3A = math.exp %max3A : vector<10000x1xf32>
    %mul3A_31 = arith.mulf %exp3A, %dot_general3A_28 : vector<10000x1xf32>
    %add3A_32 = arith.addf %dot_general3A_8, %mul3A_31 : vector<10000x1xf32>
    %add3A_33 = arith.addf %dot_general3A_13, %exp3A : vector<10000x1xf32>
    %div3A = arith.divf %add3A_32, %add3A_33 : vector<10000x1xf32>
    %broadcast_in_dim3A = vector.shape_cast %div3A : vector<10000x1xf32> to vector<10000x1xf32>
    %broadcast_in_dim3A_34 = vector.broadcast %broadcast_in_dim3A : vector<10000x1xf32> to vector<10000x128xf32>
    %swap3A = arith.constant 0 : index
    %swap3A_35 = arith.constant 0 : index
    %swap3A_36 = vector.load %arg7[%swap3A, %swap3A_35] : memref<10000x128xf32, #tpu.memory_space<vmem>>, vector<10000x128xf32>
    tpu.vector_store %arg7[%swap3A, %swap3A_35], %broadcast_in_dim3A_34 {strides = array<i32>} : memref<10000x128xf32, #tpu.memory_space<vmem>>, vector<10000x128xf32>,
    return
  }
}

module attributes {stable_mosaic.version = 14 : i64} {
  func.func @_proj_body(%arg0: memref<10000x128xf32, #tpu.memory_space<vmem>>, %arg1: memref<128x128xf32, #tpu.memory_space<vmem>>, %arg2: memref<1x128xf32, #tpu.memory_space<vmem>>, %arg3: memref<8x128xf32, #tpu.memory_space<vmem>>, %arg4: memref<8x1xf32, #tpu.memory_space<vmem>>, %arg5: memref<2x320000xi32, #tpu.memory_space<vmem>>, %arg6: memref<8x10000xf32, #tpu.memory_space<vmem>>, %arg7: memref<10000xf32, #tpu.memory_space<vmem>>, %arg8: memref<10000xf32, #tpu.memory_space<vmem>>, %arg9: memref<10000xf32, #tpu.memory_space<vmem>>, %arg10: memref<320000xi32, #tpu.memory_space<vmem>>, %arg11: memref<320000xi32, #tpu.memory_space<vmem>>) attributes {dimension_semantics = [], scalar_prefetch = 0 : i64, scratch_operands = 0 : i64, tpu.core_type = #tpu.core_type<tc>} {
    %get3A = arith.constant 0 : index
    %get3A_0 = arith.constant 0 : index
    %get3A_1 = vector.load %arg0[%get3A, %get3A_0] : memref<10000x128xf32, #tpu.memory_space<vmem>>, vector<10000x128xf32>
    %get3A_2 = arith.constant 0 : index
    %get3A_3 = arith.constant 0 : index
    %get3A_4 = vector.load %arg1[%get3A_2, %get3A_3] : memref<128x128xf32, #tpu.memory_space<vmem>>, vector<128x128xf32>
    %dot_general3A = arith.constant dense<0.000000e+00> : vector<10000x128xf32>
    %dot_general3A_5 = tpu.matmul %get3A_1, %get3A_4, %dot_general3A {dimension_numbers = #tpu.dot_dimension_numbers<[1], [1], [0], [0], [0, 0, 1, 0], [], []>, transpose_lhs_hint = false} : vector<10000x128xf32>, vector<128x128xf32>, vector<10000x128xf32> -> vector<10000x128xf32>
    %get3A_6 = arith.constant 0 : index
    %get3A_7 = arith.constant 0 : index
    %get3A_8 = vector.load %arg2[%get3A_6, %get3A_7] : memref<1x128xf32, #tpu.memory_space<vmem>>, vector<1x128xf32>
    %add3A = vector.broadcast %get3A_8 : vector<1x128xf32> to vector<10000x128xf32>
    %add3A_9 = arith.addf %dot_general3A_5, %add3A : vector<10000x128xf32>
    %get3A_10 = arith.constant 0 : index
    %get3A_11 = arith.constant 0 : index
    %get3A_12 = vector.load %arg3[%get3A_10, %get3A_11] : memref<8x128xf32, #tpu.memory_space<vmem>>, vector<8x128xf32>
    %dot_general3A_13 = arith.constant dense<0.000000e+00> : vector<8x10000xf32>
    %dot_general3A_14 = tpu.matmul %get3A_12, %add3A_9, %dot_general3A_13 {dimension_numbers = #tpu.dot_dimension_numbers<[1], [1], [0], [0], [0, 0, 1, 0], [], []>, transpose_lhs_hint = false} : vector<8x128xf32>, vector<10000x128xf32>, vector<8x10000xf32> -> vector<8x10000xf32>
    %get3A_15 = arith.constant 0 : index
    %get3A_16 = arith.constant 0 : index
    %get3A_17 = vector.load %arg4[%get3A_15, %get3A_16] : memref<8x1xf32, #tpu.memory_space<vmem>>, vector<8x1xf32>
    %add3A_18 = vector.broadcast %get3A_17 : vector<8x1xf32> to vector<8x10000xf32>
    %add3A_19 = arith.addf %dot_general3A_14, %add3A_18 : vector<8x10000xf32>
    %swap3A = arith.constant 0 : index
    %swap3A_20 = arith.constant 0 : index
    %swap3A_21 = vector.load %arg6[%swap3A, %swap3A_20] : memref<8x10000xf32, #tpu.memory_space<vmem>>, vector<8x10000xf32>
    tpu.vector_store %arg6[%swap3A, %swap3A_20], %add3A_19 {strides = array<i32>} : memref<8x10000xf32, #tpu.memory_space<vmem>>, vector<8x10000xf32>,
    %slice3A = vector.extract_strided_slice %add3A_19 {offsets = [0, 0], sizes = [1, 10000], strides = [1, 1]} : vector<8x10000xf32> to vector<1x10000xf32>
    %reshape3A = vector.shape_cast %slice3A : vector<1x10000xf32> to vector<10000xf32>
    %swap3A_22 = arith.constant 0 : index
    %swap3A_23 = vector.load %arg7[%swap3A_22] : memref<10000xf32, #tpu.memory_space<vmem>>, vector<10000xf32>
    tpu.vector_store %arg7[%swap3A_22], %reshape3A {strides = array<i32>} : memref<10000xf32, #tpu.memory_space<vmem>>, vector<10000xf32>,
    %slice3A_24 = vector.extract_strided_slice %add3A_19 {offsets = [1, 0], sizes = [1, 10000], strides = [1, 1]} : vector<8x10000xf32> to vector<1x10000xf32>
    %reshape3A_25 = vector.shape_cast %slice3A_24 : vector<1x10000xf32> to vector<10000xf32>
    %swap3A_26 = arith.constant 0 : index
    %swap3A_27 = vector.load %arg8[%swap3A_26] : memref<10000xf32, #tpu.memory_space<vmem>>, vector<10000xf32>
    tpu.vector_store %arg8[%swap3A_26], %reshape3A_25 {strides = array<i32>} : memref<10000xf32, #tpu.memory_space<vmem>>, vector<10000xf32>,
    %slice3A_28 = vector.extract_strided_slice %add3A_19 {offsets = [2, 0], sizes = [1, 10000], strides = [1, 1]} : vector<8x10000xf32> to vector<1x10000xf32>
    %reshape3A_29 = vector.shape_cast %slice3A_28 : vector<1x10000xf32> to vector<10000xf32>
    %swap3A_30 = arith.constant 0 : index
    %swap3A_31 = vector.load %arg9[%swap3A_30] : memref<10000xf32, #tpu.memory_space<vmem>>, vector<10000xf32>
    tpu.vector_store %arg9[%swap3A_30], %reshape3A_29 {strides = array<i32>} : memref<10000xf32, #tpu.memory_space<vmem>>, vector<10000xf32>,
    %get3A_32 = arith.constant 0 : index
    %get3A_33 = arith.constant 0 : index
    %get3A_34 = vector.load %arg5[%get3A_32, %get3A_33] : memref<2x320000xi32, #tpu.memory_space<vmem>>, vector<1x320000xi32>
    %reshape3A_35 = vector.shape_cast %get3A_34 : vector<1x320000xi32> to vector<320000xi32>
    %swap3A_36 = arith.constant 0 : index
    %swap3A_37 = vector.load %arg10[%swap3A_36] : memref<320000xi32, #tpu.memory_space<vmem>>, vector<320000xi32>
    tpu.vector_store %arg10[%swap3A_36], %reshape3A_35 {strides = array<i32>} : memref<320000xi32, #tpu.memory_space<vmem>>, vector<320000xi32>,
    %get3A_38 = arith.constant 1 : index
    %get3A_39 = arith.constant 0 : index
    %get3A_40 = vector.load %arg5[%get3A_38, %get3A_39] : memref<2x320000xi32, #tpu.memory_space<vmem>>, vector<1x320000xi32>
    %reshape3A_41 = vector.shape_cast %get3A_40 : vector<1x320000xi32> to vector<320000xi32>
    %swap3A_42 = arith.constant 0 : index
    %swap3A_43 = vector.load %arg11[%swap3A_42] : memref<320000xi32, #tpu.memory_space<vmem>>, vector<320000xi32>
    tpu.vector_store %arg11[%swap3A_42], %reshape3A_41 {strides = array<i32>} : memref<320000xi32, #tpu.memory_space<vmem>>, vector<320000xi32>,
    return
  }
}

</mosaic_0001>

<sc_bundles>
// kernel: kernel.5.cloned.1.call-start
scs
__scs_entry_jumppad:
0x0: {  	(pc) =	sbr.rel $0x88, $3  }
0x1: {  	(tag) =	ssettag $0x0;
	lr =	simm.s32 $0x1  }
0x2: {  	[smem:$0x3F9B] =	sst lr;
	_ =	strace $0xD0000000  }
0x3: {  	_ = 	snop  }
0x4: {  	_ = 	snop  }
0x5: {  	_ = 	snop  }
0x6: {  	_ = 	snop  }
0x7: {  	_ = 	snop  }
__scs_overlays_trampoline_lowered:
0x8: {  	[smem:$0x3FAA] =	sst s0  }
0x9: {  	[smem:$0x3FAB] =	sst s1  }
0xa: {  	[smem:$0x3FAC] =	sst s2  }
0xb: {  	[smem:$0x3FAD] =	sst s3  }
0xc: {  	[smem:$0x3FAE] =	sst s4  }
0xd: {  	[smem:$0x3FAF] =	sst s5  }
0xe: {  	[smem:$0x3FB0] =	sst s6  }
0xf: {  	[smem:$0x3FB1] =	sst s7  }
0x10: {  	[smem:$0x3FB2] =	sst s8  }
0x11: {  	[smem:$0x3FB3] =	sst s9;
	s0 =	simm.s32 @!p0 $0x0  }
0x12: {  	s1 =	sld [smem:$0x3F99];
	s0 =	simm.s32 @p0 $0x1  }
0x13: {  	[smem:$0x3FB4] =	sst s0;
	s0 =	simm.s32 @!p1 $0x0  }
0x14: {  	s2 =	sld [smem:$0x3F98];
	s0 =	simm.s32 @p1 $0x1  }
0x15: {  	[smem:$0x3FB5] =	sst s0;
	s0 =	simm.s32 @!p2 $0x0  }
0x16: {  	s3 =	sld [smem:$0x3FDB];
	s0 =	simm.s32 @p2 $0x1  }
0x17: {  	s4 =	simm.s32 $0x1BF5;
	[smem:$0x3FB7] =	sst s0  }
0x18: {  	s0 =	sld [smem:$0x3F9A];
	_ =	swait.ge [sflag:s4], $0x0  }
0x19: {  	s7 =	sld [smem:$0x3F9B]  }
0x1a: {  	s8 =	sadd.s32 $0xFFFFE003, lr  }
0x1b: {  	s9 =	sadd.s32 $0xFFFFFEF7, lr;
	s5 =	simm.s32 $0xFFFFFFFF;
	p2 =	slt.u32 s8, $0xFFFFF086  }
0x1c: {  	p1 =	slt.u32 s9, $0xF7A;
	s5 =	simm.s32 @!p2 $0x0  }
0x1d: {  	s5 =	simm.s32 @p1 $0x1;
	p0 =	seq.s32 s7, s2  }
0x1e: {  	s7 =	smul.u32 @!p0 $0xF7A, s2;
	p2 =	seq.s32 @!p0 s5, $0x0  }
0x1f: {  	s9 =	smul.u32 $0xF7A, s1;
	s8 =	simm.s32 @!p0 $0x1BF5;
	p2 =	por !p2, p0  }
0x20: {  	[sflag:s8] =	ssyncset.s32 @!p0 $0xFFFFF086;
	s6 =	sadd.s32 @!p0 s3, s7;
	s7 =	simm.s32 @!p0 $0x108  }
0x21: {  	s3 =	sadd.s32 s3, s9;
	s6 =	sadd.s32 @!p0 $0x88, s6;
	s7 =	simm.s32 @p2 $0x1082  }
0x22: {  	[simem:s7], [sflag:s8] =	dma.local @!p0 [hbm:s6], $0xF7A  }
0x23: {  	s9 =	sor.u32 $0xD0000000, s2;
	s6 =	simm.s32 $0x108;
	_ =	swait.ge @!p0 [sflag:s8], $0x0  }
0x24: {  	s3 =	sadd.s32 $0x88, s3;
	s6 =	simm.s32 @!p1 $0x1082;
	[sflag:s4] =	ssyncset.s32 $0xFFFFF086  }
0x25: {  	[simem:s6], [sflag:s4] =	dma.local [hbm:s3], $0xF7A  }
0x26: {  	[smem:$0x3F9B] =	sst s1;
	(tag) =	ssettag s2;
	_ =	strace s9  }
0x27: {  	s1 =	sld [smem:$0x3FAB]  }
0x28: {  	s2 =	sld [smem:$0x3FAC]  }
0x29: {  	s4 =	sld [smem:$0x3FAE]  }
0x2a: {  	p0 =	seq.s32 s5, $0x0;
	s5 =	sld [smem:$0x3FAF]  }
0x2b: {  	s6 =	sld [smem:$0x3FB0]  }
0x2c: {  	s7 =	sld [smem:$0x3FB1]  }
0x2d: {  	s3 =	simm.s32 $0x108;
	s8 =	sld [smem:$0x3FB2]  }
0x2e: {  	s3 =	simm.s32 @!p0 $0x1082;
	s9 =	sld [smem:$0x3FB3]  }
0x2f: {  	lr =	sadd.s32 s0, s3;
	s0 =	sld [smem:$0x3FAA]  }
0x30: {  	s3 =	sld [smem:$0x3FAD]  }
0x31: {  	[smem:$0x3FB6] =	sst s10  }
0x32: {  	s10 =	sld [smem:$0x3FB4];
	_ =	sdelay $0x3  }
0x33: {  	p0 =	seq.s32 s10, $0x1;
	s10 =	sld [smem:$0x3FB6];
	_ =	sdelay $0x3  }
0x34: {  	[smem:$0x3FB6] =	sst s10  }
0x35: {  	s10 =	sld [smem:$0x3FB5];
	_ =	sdelay $0x3  }
0x36: {  	p1 =	seq.s32 s10, $0x1;
	s10 =	sld [smem:$0x3FB6];
	_ =	sdelay $0x3  }
0x37: {  	[smem:$0x3FB6] =	sst s10  }
0x38: {  	s10 =	sld [smem:$0x3FB7]  }
0x39: {  	_ = 	snop;
	(pc) =	sbr.ind lr, $3  }
0x3a: {  	_ = 	snop  }
0x3b: {  	_ = 	snop  }
0x3c: {  	p2 =	seq.s32 s10, $0x1;
	s10 =	sld [smem:$0x3FB6]  }
0x3d: {  	_ =	shalt  }
0x3e: {  	_ =	shalt  }
0x3f: {  	_ =	shalt  }
0x40: {  	_ =	shalt  }
0x41: {  	_ =	shalt  }
0x42: {  	_ =	shalt  }
0x43: {  	_ =	shalt  }
0x44: {  	_ =	shalt  }
0x45: {  	_ =	shalt  }
0x46: {  	_ =	shalt  }
0x47: {  	_ =	shalt  }
0x48: {  	_ =	shalt  }
0x49: {  	_ =	shalt  }
0x4a: {  	_ =	shalt  }
0x4b: {  	_ =	shalt  }
0x4c: {  	_ =	shalt  }
0x4d: {  	_ =	shalt  }
0x4e: {  	_ =	shalt  }
0x4f: {  	_ =	shalt  }
0x50: {  	_ =	shalt  }
0x51: {  	_ =	shalt  }
0x52: {  	_ =	shalt  }
0x53: {  	_ =	shalt  }
0x54: {  	_ =	shalt  }
0x55: {  	_ =	shalt  }
0x56: {  	_ =	shalt  }
0x57: {  	_ =	shalt  }
0x58: {  	_ =	shalt  }
0x59: {  	_ =	shalt  }
0x5a: {  	_ =	shalt  }
0x5b: {  	_ =	shalt  }
0x5c: {  	_ =	shalt  }
0x5d: {  	_ =	shalt  }
0x5e: {  	_ =	shalt  }
0x5f: {  	_ =	shalt  }
0x60: {  	_ =	shalt  }
0x61: {  	_ =	shalt  }
0x62: {  	_ =	shalt  }
0x63: {  	_ =	shalt  }
0x64: {  	_ =	shalt  }
0x65: {  	_ =	shalt  }
0x66: {  	_ =	shalt  }
0x67: {  	_ =	shalt  }
0x68: {  	_ =	shalt  }
0x69: {  	_ =	shalt  }
0x6a: {  	_ =	shalt  }
0x6b: {  	_ =	shalt  }
0x6c: {  	_ =	shalt  }
0x6d: {  	_ =	shalt  }
0x6e: {  	_ =	shalt  }
0x6f: {  	_ =	shalt  }
0x70: {  	_ =	shalt  }
0x71: {  	_ =	shalt  }
0x72: {  	_ =	shalt  }
0x73: {  	_ =	shalt  }
0x74: {  	_ =	shalt  }
0x75: {  	_ =	shalt  }
0x76: {  	_ =	shalt  }
0x77: {  	_ =	shalt  }
0x78: {  	_ =	shalt  }
0x79: {  	_ =	shalt  }
0x7a: {  	_ =	shalt  }
0x7b: {  	_ =	shalt  }
0x7c: {  	_ =	shalt  }
0x7d: {  	_ =	shalt  }
0x7e: {  	_ =	shalt  }
0x7f: {  	_ =	shalt  }
0x80: {  	_ =	shalt  }
0x81: {  	_ =	shalt  }
0x82: {  	_ =	shalt  }
0x83: {  	_ =	shalt  }
0x84: {  	_ =	shalt  }
0x85: {  	_ =	shalt  }
0x86: {  	_ =	shalt  }
0x87: {  	_ =	shalt  }
.Lfunc_end0:
.L_simem_size_0:
called_computation_lowered:
.L_overlay_start_0:
0x88: {  	s2 =	sld [smem:$0x3FD9]  }
0x89: {  	s3 =	sld [smem:$0x3FFE];
	_ =	sdelay $0x1  }
0x8a: {  	s1 =	srdreg.scid  }
0x8b: {  	s0 =	sand.u32 $0x1, s1  }
0x8c: {  	s17 =	sshll.u32 s0, $0xA;
	s2 =	sadd.s32 s3, s2  }
0x8d: {  	s2 =	sadd.s32 s2, s17  }
0x8e: {  	[smem:$0x3FC2] =	sst s2  }
0x8f: {  	_ = 	snop  }
0x90: {  	s2 =	sld [smem:$0x3FD0];
	(tm) =	ssettm $0x1  }
0x91: {  	s18 =	sld [smem:$0x3FFB];
	_ =	sdelay $0x3  }
0x92: {  	_ =	strace s18  }
0x93: {  	s3 =	sld [smem:$0x3FFC];
	_ =	sdelay $0x3  }
0x94: {  	_ =	strace s3  }
0x95: {  	s3 =	sld [smem:$0x3FFD];
	_ =	sdelay $0x3  }
0x96: {  	_ =	strace s3  }
0x97: {  	_ =	strace $0x8FFFFFFF  }
0x98: {  	s19 =	sld [smem:$0x3FDB];
	_ =	sdelay $0x1  }
0x99: {  	s4 =	simm.s32 $_scs_section_size  }
0x9a: {  	s5 =	simm.s32 $_size__tile_overlayer_lowered;
	s6 =	simm.s32 $_tile_overlayer_lowered  }
0x9b: {  	s22 =	simm.s32 $0x1BFF;
	s21 =	sshll.u32 s6, $0x1;
	s3 =	sadd.s32 s4, s19  }
0x9c: {  	s7 =	simm.s32 $0x0;
	s20 =	sshll.u32 s5, $0x1;
	s5 =	sadd.s32 s21, s3  }
0x9d: {  	[timem:s7], [sflag:s22] =	dma.local [hbm:s5], s20  }
0x9e: {  	_ =	swait.ge [sflag:s22], s20  }
0x9f: {  	s4 =	ssub.s32 $0x0, s20;
	[sflag:s22] =	ssyncset.done $0x0  }
0xa0: {  	[sflag:s22] =	ssyncadd.s32 s4;
	_ =	sdelay $0x1  }
0xa1: {  	s23 =	simm.s32 $0x1B8B  }
0xa2: {  	_ =	swait.ge [sflag:s23], $0x1  }
0xa3: {  	[sflag:s23] =	ssyncset.done $0x0  }
0xa4: {  	s25 =	simm.s32 $0x1B8E;
	s24 =	sld [smem:$0x3FFE];
	[sflag:s23] =	ssyncadd.s32 $0xFFFFFFFF  }
0xa5: {  	s26 =	simm.s32 $execute0_lowered;
	[smem:$0x3FD2] =	sst s25  }
0xa6: {  	s5 =	sshll.u32 s26, $0x1;
	_ =	strace $0x80000046;
	[dreg:$0x1] =	wrdreg $0xFFFFFFFF  }
0xa7: {  	s28 =	simm.s32 $_size_execute0_lowered;
	s3 =	sadd.s32 s3, s5;
	[dreg:$0x0] =	wrdreg $0x0  }
0xa8: {  	s5 =	sshll.u32 s28, $0x1;
	[dreg:$0x2] =	wrdreg s3  }
0xa9: {  	[dreg:$0x3] =	wrdreg s5  }
0xaa: {  	[dreg:$0x4] =	wrdreg $0xC0  }
0xab: {  	_ =	task [dreg:s7], $0x5FFFF  }
0xac: {  	[dreg:$0x1] =	wrdreg $0xFFFFFFFF  }
0xad: {  	[dreg:$0x0] =	wrdreg $0x60  }
0xae: {  	[dreg:$0x2] =	wrdreg s24  }
0xaf: {  	[dreg:$0x3] =	wrdreg s2  }
0xb0: {  	[dreg:$0x4] =	wrdreg $0x9  }
0xb1: {  	_ =	task.clear_ibuf [dreg:s7], $0x5FFFF;
	_ =	strace $0x90000046  }
0xb2: {  	s29 =	simm.s32 $0x9;
	_ =	strace $0x80000048  }
0xb3: {  	_ =	swait.ge [sflag:s29], $0x1  }
0xb4: {  	[sflag:s29] =	ssyncadd.s32 $0xFFFFFFFF  }
0xb5: {  	_ =	strace $0x90000048  }
0xb6: {  	_ =	sfence  }
0xb7: {  	s30 =	sld [smem:$0x0];
	_ =	sdelay $0x2  }
0xb8: {  	s31 =	sshll.u32 s1, $0xD;
	s1 =	sshrl.u32 s1, $0x2  }
0xb9: {  	s3 =	sand.u32 $0x4000, s31;
	s1 =	sadd.s32 s1, s30  }
0xba: {  	s0 =	sor.u32 s3, s0;
	s1 =	sshll.u32 s1, $0x11  }
0xbb: {  	s0 =	sor.u32 s1, s0  }
0xbc: {  	s0 =	sadd.s32 $0x8F2B, s0  }
0xbd: {  	[sflag:s0] =	ssyncadd.remote.s32 $0x1  }
0xbe: {  	_ =	sfence.sel $0xFFFF  }
0xbf: {  	[dreg:$0x0] =	wrdreg $0xFFFFFFFF;
	(pc) =	sbr.abs _section_cstart, $3  }
0xc0: {  	[dreg:$0x1] =	wrdreg $0xFFFFFFFF  }
0xc1: {  	_ =	task.clear_ibuf [dreg:s7], $0x2FFFF;
	_ =	strace $0x9FFFFFFF  }
0xc2: {  	(tm) =	ssettm $0x7FFFFFFF  }
0xc3: {  	_ =	shalt  }
tec
execute0_lowered:
.L_overlay_start_1:
0x0: {  	(tag) =	ssettag $0x1  }
0x1: {  	s6 =	rddreg [dreg:$0x0]  }
0x2: {  	s9 =	rddreg [dreg:$0x1]  }
0x3: {  	s0 =	rddreg [dreg:$0x2]  }
0x4: {  	s2 =	simm.s32 $0x0;
	s3 =	srdreg.scid;
	s1 =	stileid.u32  }
0x5: {  	s13 =	simm.s32 $0x7680;
	s14 =	simm.s32 $0x9E00;
	s15 =	simm.s32 $0x1  }
0x6: {  	s16 =	simm.s32 $0x13C00;
	s17 =	simm.s32 $0x11480;
	s18 =	simm.s32 $0x80  }
0x7: {  	s19 =	simm.s32 $0x400;
	s20 =	simm.s32 $0x0;
	[smem:$0x7FF] =	sst s2  }
0x8: {  	s5 =	sand.u32 $0x1, s3;
	s4 =	sshll.u32 s1, $0x1;
	s3 =	sadd.s32 $0x15C00, s6  }
0x9: {  	s10 =	sshrl.u32 s1, $0x2;
	_ =	strace $0x80000047;
	s7 =	sor.u32 s5, s4  }
0xa: {  	s4 =	sadd.s32 $0x16200, s6;
	s11 =	ssub.s32 $0x2, s5;
	s10 =	smul.u32 $0x13C00, s10  }
0xb: {  	s8 =	smul.u32 $0x4E2, s7;
	s7 =	sshll.u32 s7, $0x7;
	s12 =	sshrl.u32 s11, $0x1  }
0xc: {  	s5 =	sadd.s32 $0x16800, s6;
	s7 =	sand.u32 $0x380, s7;
	s11 =	ssub.s32 s11, s12  }
0xd: {  	s12 =	simm.s32 $0x4F00;
	s8 =	sadd.s32 s8, s6;
	s7 =	sor.u32 s10, s7  }
0xe: {  	s6 =	sadd.s32 $0x2000, s8;
	s10 =	sshrl.u32 s7, $0x3;
	s30 =	sadd.s32 $0x4F000, s7  }
0xf: {  	s7 =	sadd.s32 $0xBE00, s8;
	s8 =	sadd.s32 s9, s10;
	s31 =	sshrl.u32 s30, $0x3  }
0x10: {  	v0 =	vimm.f32 $0.0e+00;
	s10 =	smax.u32 s11, $0x1;
	s11 =	simm.s32 $0x2780;
	s9 =	sadd.s32 s9, s31  }
.LBB2_1:
0x11: {  	[tilespmem:s2], [sflag:$0x1] =	stream.linear.gather [hbm4b:s3+s2], $0x2780, $0x38;
	[tilespmem:$0x16380] =	vst v63  }
0x12: {  	_ = 	snop  }
0x13: {  	[tilespmem:s11], [sflag:$0x1] =	stream.linear.gather [hbm4b:s4+s2], $0x2780, $0x38;
	[tilespmem:$0x16380] =	vst v63  }
0x14: {  	_ = 	snop  }
0x15: {  	[tilespmem:s12], [sflag:$0x1] =	stream.linear.gather [hbm4b:s5+s2], $0x2780, $0x38;
	[tilespmem:$0x16380] =	vst v63  }
0x16: {  	_ = 	snop  }
0x17: {  	[tilespmem:s13], [sflag:$0x1] =	stream.linear.gather [hbm4b:s6+s2], $0x2710, $0x38;
	[tilespmem:$0x16380] =	vst v63  }
0x18: {  	s22 =	simm.s32 $0x114A0  }
0x19: {  	[tilespmem:s14], [sflag:$0x1] =	stream.linear.gather [hbm4b:s7+s2], $0x2710, $0x38;
	[tilespmem:$0x16380] =	vst v63  }
0x1a: {  	[tilespmem:s22+$0xFFFFFFF0] =	vst v0  }
0x1b: {  	[tilespmem:s22+$0x0] =	vst v0  }
0x1c: {  	[tilespmem:s22+$0x10] =	vst v0  }
0x1d: {  	s21 =	simm.s32 $0x13C20;
	[tilespmem:s22+$0xFFFFFFE0] =	vst v0  }
0x1e: {  	[tilespmem:s21+$0xFFFFFFF0] =	vst v0  }
0x1f: {  	[tilespmem:s21+$0x0] =	vst v0  }
0x20: {  	[tilespmem:s21+$0x10] =	vst v0  }
0x21: {  	s23 =	simm.s32 $0x114E0;
	s22 =	simm.s32 $0x0;
	[tilespmem:s21+$0xFFFFFFE0] =	vst v0  }
.LBB2_2:
0x22: {  	[tilespmem:s23+$0xFFFFFFF0] =	vst v0;
	s21 =	sadd.s32 $0x40, s21  }
0x23: {  	s22 =	sadd.s32 $0x40, s22;
	[tilespmem:s21+$0xFFFFFFF0] =	vst v0  }
0x24: {  	p0 =	slt.u32 s22, $0x26C0;
	[tilespmem:s23+$0x0] =	vst v0  }
.Ltmp0:
0x25: {  	[tilespmem:s21+$0x0] =	vst v0;
	(pc) =	sbr.rel @p0 .LBB2_2-.Ltmp0, $4  }
0x26: {  	[tilespmem:s23+$0x10] =	vst v0  }
0x27: {  	[tilespmem:s21+$0x10] =	vst v0  }
0x28: {  	[tilespmem:s23+$0xFFFFFFE0] =	vst v0  }
0x29: {  	s23 =	sadd.s32 $0x40, s23;
	[tilespmem:s21+$0xFFFFFFE0] =	vst v0  }
0x2a: {  	[tilespmem:$0x13B80] =	vst v0  }
0x2b: {  	[tilespmem:$0x16300] =	vst v0  }
0x2c: {  	_ =	swait.ge [sflag:s15], $0x2780  }
0x2d: {  	[sflag:s15] =	ssyncset.done $0x0  }
0x2e: {  	[sflag:s15] =	ssyncadd.s32 $0xFFFFD880  }
0x2f: {  	_ =	swait.ge [sflag:s15], $0x2780  }
0x30: {  	[sflag:s15] =	ssyncset.done $0x0  }
0x31: {  	[sflag:s15] =	ssyncadd.s32 $0xFFFFD880  }
0x32: {  	_ =	swait.ge [sflag:s15], $0x2780  }
0x33: {  	[sflag:s15] =	ssyncset.done $0x0  }
0x34: {  	[sflag:s15] =	ssyncadd.s32 $0xFFFFD880  }
0x35: {  	_ =	swait.ge [sflag:s15], $0x2710  }
0x36: {  	[sflag:s15] =	ssyncset.done $0x0  }
0x37: {  	[sflag:s15] =	ssyncadd.s32 $0xFFFFD8F0  }
0x38: {  	_ =	swait.ge [sflag:s15], $0x2710  }
0x39: {  	[sflag:s15] =	ssyncset.done $0x0  }
0x3a: {  	s21 =	simm.s32 $0x9E20;
	[sflag:s15] =	ssyncadd.s32 $0xFFFFD8F0  }
0x3b: {  	s22 =	simm.s32 $0x76A0;
	v1 =	vld [tilespmem:s21+$0x10]  }
0x3c: {  	v3 =	vld [tilespmem:s22+$0x10];
	_ =	sdelay $0x2  }
0x3d: {  	v4 =	vld [tilespmem:s21+$0xFFFFFFF0]  }
0x3e: {  	v5 =	vld [tilespmem:s22+$0xFFFFFFF0]  }
0x3f: {  	v6 =	vld [tilespmem:s22+$0x0]  }
0x40: {  	v7 =	vld [tilespmem:s21+$0x0]  }
0x41: {  	v1 =	vld.idx.msk [tilespmem:v1+s2+$0x0], $0xffff  }
0x42: {  	v8 =	vld.idx.msk [tilespmem:v3+s11+$0x0], $0xffff  }
0x43: {  	v2 =	vld [tilespmem:s21+$0xFFFFFFE0];
	_ =	sdelay $0x1  }
0x44: {  	v9 =	vld [tilespmem:s22+$0xFFFFFFE0];
	s21 =	simm.s32 $0x76E0  }
0x45: {  	v14 =	vld [tilespmem:s21+$0xFFFFFFF0]  }
0x46: {  	v12 =	vld.idx.msk [tilespmem:v6+s11+$0x0], $0xffff;
	v1 =	vadd.f32 v8, v1  }
0x47: {  	v7 =	vld.idx.msk [tilespmem:v7+s2+$0x0], $0xffff  }
0x48: {  	v4 =	vld.idx.msk [tilespmem:v4+s2+$0x0], $0xffff;
	v8 =	vmul.f32 $2.000000030e-01, v1  }
0x49: {  	v11 =	vld.idx.msk [tilespmem:v5+s11+$0x0], $0xffff  }
0x4a: {  	v10 =	vld.idx.msk [tilespmem:v2+s2+$0x0], $0xffff;
	v8 =	vmax.f32 v1, v8  }
0x4b: {  	s31 =	simm.s32 $0x9E60;
	v13 =	vld.idx.msk [tilespmem:v5+s12+$0x0], $0xffff;
	v8 =	vmul.f32 $1.442695020e+00, v8  }
0x4c: {  	v7 =	vadd.f32 v12, v7;
	v12 =	vld [tilespmem:s31+$0xFFFFFFE0]  }
0x4d: {  	(erf) = vpow2.f32 v8;
	v8 =	vld [tilespmem:s31+$0xFFFFFFF0]  }
0x4e: {  	v5 =	vld.idx.msk [tilespmem:v9+s11+$0x0], $0xffff;
	v4 =	vadd.f32 v11, v4  }
0x4f: {  	v2 =	vld.idx.msk [tilespmem:v9+s12+$0x0], $0xffff  }
0x50: {  	v9 =	vld [tilespmem:s31+$0x10];
	v11 =	vmul.f32 $2.000000030e-01, v4  }
0x51: {  	v15 =	vmul.f32 $2.000000030e-01, v7;
	v1 =	vld [tilespmem:s21+$0x10]  }
0x52: {  	v4 =	vmax.f32 v4, v11;
	v11 =	vld [tilespmem:s21+$0x0]  }
0x53: {  	v5 =	vadd.f32 v5, v10;
	v7 =	vmax.f32 v7, v15;
	v15 =	vld.idx.msk [tilespmem:v3+s12+$0x0], $0xffff;
	v4 =	vmul.f32 $1.442695020e+00, v4  }
0x54: {  	v7 =	vmul.f32 $1.442695020e+00, v7;
	v3 =	vld.idx.msk [tilespmem:v12+s2+$0x0], $0xffff  }
0x55: {  	(erf) = vpow2.f32 v4;
	v12 =	vld.idx.msk [tilespmem:v8+s2+$0x0], $0xffff;
	v8 =	vmul.f32 $2.000000030e-01, v5  }
0x56: {  	v16 =	vld [tilespmem:s31+$0x0]  }
0x57: {  	v17 =	vld [tilespmem:s21+$0xFFFFFFE0];
	(erf) = vpow2.f32 v7;
	v5 =	vmax.f32 v5, v8  }
0x58: {  	v4 =	vld.idx.msk [tilespmem:v9+s2+$0x0], $0xffff;
	v19 =	vmul.f32 $1.442695020e+00, v5  }
0x59: {  	v9 =	vld.idx.msk [tilespmem:v1+s11+$0x0], $0xffff  }
0x5a: {  	v10 =	vpop (erf);
	(erf) = vpow2.f32 v19  }
0x5b: {  	v6 =	vld.idx.msk [tilespmem:v6+s12+$0x0], $0xffff  }
0x5c: {  	v18 =	vld.idx.msk [tilespmem:v14+s11+$0x0], $0xffff  }
0x5d: {  	s22 =	simm.s32 $0xC5A0;
	v7 =	vld.idx.msk [tilespmem:v11+s11+$0x0], $0xffff  }
0x5e: {  	v15 =	vmul.f32 v10, v15;
	[tilespmem:s22+$0x10] =	vst v10;
	v8 =	vld.idx.msk [tilespmem:v16+s2+$0x0], $0xffff;
	v63 =	vadd.f32 v9, v4;
	v9 =	vpop (erf)  }
0x5f: {  	s23 =	simm.s32 $0xED20;
	v4 =	vld.idx.msk [tilespmem:v11+s12+$0x0], $0xffff;
	[tilespmem:s22+$0xFFFFFFF0] =	vst v9  }
0x60: {  	v5 =	vld.idx.msk [tilespmem:v14+s12+$0x0], $0xffff;
	v13 =	vmul.f32 v9, v13;
	v9 =	vpop (erf);
	[tilespmem:s23+$0x10] =	vst v15;
	v14 =	vmul.f32 $2.000000030e-01, v63  }
0x61: {  	[tilespmem:s22+$0x0] =	vst v9;
	v10 =	vmul.f32 v9, v6;
	v9 =	vld.idx.msk [tilespmem:v17+s11+$0x0], $0xffff  }
0x62: {  	s24 =	simm.s32 $0x40;
	s25 =	simm.s32 $0x9EA0;
	v6 =	vld.idx.msk [tilespmem:v17+s12+$0x0], $0xffff;
	v11 =	vadd.f32 v18, v12;
	[tilespmem:s23+$0xFFFFFFF0] =	vst v13;
	v12 =	vmax.f32 v63, v14  }
.LBB2_4:
0x63: {  	v13 =	vld [tilespmem:s25+$0x10];
	v12 =	vmul.f32 $1.442695020e+00, v12;
	s21 =	sadd.s32 $0x40, s21;
	[tilespmem:s23+$0x0] =	vst v10;
	v10 =	vpop (erf)  }
0x64: {  	s24 =	sadd.s32 $0x40, s24;
	v7 =	vadd.f32 v7, v8;
	v14 =	vld [tilespmem:s21+$0x10];
	v16 =	vmul.f32 $2.000000030e-01, v11;
	[tilespmem:s22+$0xFFFFFFE0] =	vst v10;
	v2 =	vmul.f32 v10, v2  }
0x65: {  	p0 =	slt.u32 s24, $0x26C0;
	v10 =	vmov v5;
	v8 =	vld [tilespmem:s25+$0xFFFFFFE0];
	(erf) = vpow2.f32 v12  }
0x66: {  	v12 =	vmul.f32 $2.000000030e-01, v7;
	v15 =	vmov v4;
	v5 =	vld [tilespmem:s21+$0xFFFFFFF0];
	v11 =	vmax.f32 v11, v16;
	[tilespmem:s23+$0xFFFFFFE0] =	vst v2  }
0x67: {  	v3 =	vadd.f32 v9, v3;
	v4 =	vld [tilespmem:s25+$0xFFFFFFF0];
	v9 =	vmul.f32 $1.442695020e+00, v11  }
0x68: {  	v7 =	vmax.f32 v7, v12;
	v11 =	vld [tilespmem:s21+$0x0];
	v2 =	vmov v6  }
0x69: {  	v6 =	vmul.f32 $2.000000030e-01, v3;
	v7 =	vmul.f32 $1.442695020e+00, v7;
	v12 =	vld.idx.msk [tilespmem:v1+s12+$0x0], $0xffff;
	v1 =	vmov v14  }
0x6a: {  	v16 =	vld [tilespmem:s25+$0x0];
	(erf) = vpow2.f32 v9  }
0x6b: {  	v3 =	vmax.f32 v3, v6;
	v9 =	vld.idx.msk [tilespmem:v13+s2+$0x0], $0xffff;
	(erf) = vpow2.f32 v7  }
0x6c: {  	v6 =	vld.idx.msk [tilespmem:v14+s11+$0x0], $0xffff;
	v14 =	vmul.f32 $1.442695020e+00, v3  }
0x6d: {  	v13 =	vld [tilespmem:s21+$0xFFFFFFE0]  }
0x6e: {  	v3 =	vld.idx.msk [tilespmem:v8+s2+$0x0], $0xffff;
	(erf) = vpow2.f32 v14;
	v7 =	vpop (erf)  }
0x6f: {  	s22 =	sadd.s32 $0x40, s22;
	v14 =	vld.idx.msk [tilespmem:v4+s2+$0x0], $0xffff;
	v4 =	vmul.f32 v7, v12  }
0x70: {  	s23 =	sadd.s32 $0x40, s23;
	v12 =	vld.idx.msk [tilespmem:v5+s11+$0x0], $0xffff;
	[tilespmem:s22+$0x10] =	vst v7  }
0x71: {  	v7 =	vld.idx.msk [tilespmem:v11+s11+$0x0], $0xffff;
	[tilespmem:s23+$0x10] =	vst v4  }
.Ltmp1:
0x72: {  	v8 =	vld.idx.msk [tilespmem:v16+s2+$0x0], $0xffff;
	v16 =	vadd.f32 v6, v9;
	(pc) =	sbr.rel @p0 .LBB2_4-.Ltmp1, $4  }
0x73: {  	v5 =	vld.idx.msk [tilespmem:v5+s12+$0x0], $0xffff;
	v6 =	vpop (erf)  }
0x74: {  	v4 =	vld.idx.msk [tilespmem:v11+s12+$0x0], $0xffff;
	v17 =	vmul.f32 $2.000000030e-01, v16;
	[tilespmem:s22+$0xFFFFFFF0] =	vst v6;
	v18 =	vmul.f32 v6, v10;
	v6 =	vpop (erf)  }
0x75: {  	v9 =	vld.idx.msk [tilespmem:v13+s11+$0x0], $0xffff;
	[tilespmem:s22+$0x0] =	vst v6;
	v10 =	vmul.f32 v6, v15  }
0x76: {  	s25 =	sadd.s32 $0x40, s25;
	v11 =	vadd.f32 v12, v14;
	v6 =	vld.idx.msk [tilespmem:v13+s12+$0x0], $0xffff;
	v12 =	vmax.f32 v16, v17;
	[tilespmem:s23+$0xFFFFFFF0] =	vst v18  }
0x77: {  	_ =	sdelay $0x1  }
0x78: {  	v61 =	vmul.f32 $1.442695020e+00, v12  }
0x79: {  	v3 =	vadd.f32 v9, v3  }
0x7a: {  	v7 =	vadd.f32 v7, v8;
	v62 =	vmul.f32 $2.000000030e-01, v11;
	(erf) = vpow2.f32 v61  }
0x7b: {  	v9 =	vmul.f32 $2.000000030e-01, v3  }
0x7c: {  	v13 =	vmul.f32 $2.000000030e-01, v7;
	v63 =	vmax.f32 v11, v62  }
0x7d: {  	v8 =	vmul.f32 $1.442695020e+00, v63;
	v3 =	vmax.f32 v3, v9  }
0x7e: {  	v7 =	vmax.f32 v7, v13;
	v3 =	vmul.f32 $1.442695020e+00, v3  }
0x7f: {  	v1 =	vld.idx.msk [tilespmem:v1+s12+$0x0], $0xffff;
	v7 =	vmul.f32 $1.442695020e+00, v7;
	(erf) = vpow2.f32 v8;
	_ =	sdelay $0x1  }
0x80: {  	(erf) = vpow2.f32 v7  }
0x81: {  	(erf) = vpow2.f32 v3;
	v3 =	vpop (erf)  }
0x82: {  	v2 =	vmul.f32 v3, v2;
	[tilespmem:s22+$0xFFFFFFE0] =	vst v3;
	v3 =	vpop (erf)  }
0x83: {  	v1 =	vmul.f32 v3, v1;
	_ =	sdelay $0x1  }
0x84: {  	s21 =	sadd.s32 $0x40, s22  }
0x85: {  	s31 =	sadd.s32 $0x40, s23;
	[tilespmem:s21+$0x10] =	vst v3  }
0x86: {  	[tilespmem:s31+$0x10] =	vst v1;
	v1 =	vpop (erf)  }
0x87: {  	[tilespmem:s21+$0xFFFFFFF0] =	vst v1;
	v1 =	vmul.f32 v1, v5  }
0x88: {  	[tilespmem:s23+$0x0] =	vst v10  }
0x89: {  	[tilespmem:s23+$0xFFFFFFE0] =	vst v2;
	v2 =	vpop (erf)  }
0x8a: {  	[tilespmem:s21+$0x0] =	vst v2;
	v2 =	vmul.f32 v2, v4  }
0x8b: {  	[tilespmem:s31+$0xFFFFFFF0] =	vst v1;
	v1 =	vpop (erf)  }
0x8c: {  	[tilespmem:s31+$0x0] =	vst v2;
	v2 =	vmul.f32 v1, v6  }
0x8d: {  	[tilespmem:s21+$0xFFFFFFE0] =	vst v1  }
0x8e: {  	[tilespmem:s31+$0xFFFFFFE0] =	vst v2  }
0x8f: {  	v1 =	vld [tilespmem:$0xC500]  }
0x90: {  	v2 =	vld [tilespmem:$0x9D80];
	_ =	sdelay $0x5  }
0x91: {  	s21 =	simm.s32 $0x0  }
0x92: {  	v1 =	vld.idx.msk [tilespmem:v1+s21+$0x0], $0xffff  }
0x93: {  	v3 =	vld.idx.msk [tilespmem:v2+s11+$0x0], $0xffff;
	_ =	sdelay $0x4  }
0x94: {  	v1 =	vadd.f32 v3, v1;
	_ =	sdelay $0x1  }
0x95: {  	v3 =	vmul.f32 $2.000000030e-01, v1;
	_ =	sdelay $0x1  }
0x96: {  	v1 =	vmax.f32 v1, v3  }
0x97: {  	v1 =	vmul.f32 $1.442695020e+00, v1;
	_ =	sdelay $0x1  }
0x98: {  	(erf) = vpow2.f32 v1;
	_ =	sdelay $0x4  }
0x99: {  	v1 =	vld.idx.msk [tilespmem:v2+s12+$0x0], $0xffff;
	_ =	sdelay $0x3  }
0x9a: {  	v2 =	vpop (erf)  }
0x9b: {  	v1 =	vmul.f32 v2, v1  }
0x9c: {  	[tilespmem:$0xEC80] =	vst v2  }
0x9d: {  	[tilespmem:$0x11400] =	vst v1  }
.LBB2_6:
0x9e: {  	s22 =	sshra.s32 s21, $0x2  }
0x9f: {  	v1 =	vld [tilespmem:s22+$0x9E00];
	_ =	sdelay $0x2  }
0xa0: {  	v2 =	vld [tilespmem:s22+$0xC580];
	_ =	sdelay $0x4  }
0xa1: {  	[tilespmem:v1+s16+$0x0] =	vst.idx.add.f32.msk $0xffff, v2  }
0xa2: {  	v2 =	vld [tilespmem:s22+$0xED00];
	_ =	sdelay $0x4  }
0xa3: {  	[tilespmem:v1+s17+$0x0] =	vst.idx.add.f32.msk $0xffff, v2  }
0xa4: {  	v1 =	vld [tilespmem:s22+$0x9E10];
	_ =	sdelay $0x2  }
0xa5: {  	v2 =	vld [tilespmem:s22+$0xC590];
	_ =	sdelay $0x4  }
0xa6: {  	[tilespmem:v1+s16+$0x0] =	vst.idx.add.f32.msk $0xffff, v2  }
0xa7: {  	v2 =	vld [tilespmem:s22+$0xED10];
	_ =	sdelay $0x4  }
0xa8: {  	[tilespmem:v1+s17+$0x0] =	vst.idx.add.f32.msk $0xffff, v2  }
0xa9: {  	v1 =	vld [tilespmem:s22+$0x9E20];
	_ =	sdelay $0x2  }
0xaa: {  	v2 =	vld [tilespmem:s22+$0xC5A0];
	_ =	sdelay $0x4  }
0xab: {  	[tilespmem:v1+s16+$0x0] =	vst.idx.add.f32.msk $0xffff, v2  }
0xac: {  	v2 =	vld [tilespmem:s22+$0xED20];
	_ =	sdelay $0x4  }
0xad: {  	[tilespmem:v1+s17+$0x0] =	vst.idx.add.f32.msk $0xffff, v2  }
0xae: {  	v1 =	vld [tilespmem:s22+$0x9E30];
	_ =	sdelay $0x2  }
0xaf: {  	v2 =	vld [tilespmem:s22+$0xC5B0];
	_ =	sdelay $0x4  }
0xb0: {  	[tilespmem:v1+s16+$0x0] =	vst.idx.add.f32.msk $0xffff, v2  }
0xb1: {  	v2 =	vld [tilespmem:s22+$0xED30];
	_ =	sdelay $0x4  }
0xb2: {  	[tilespmem:v1+s17+$0x0] =	vst.idx.add.f32.msk $0xffff, v2  }
0xb3: {  	v1 =	vld [tilespmem:s22+$0x9E40];
	_ =	sdelay $0x2  }
0xb4: {  	v2 =	vld [tilespmem:s22+$0xC5C0];
	_ =	sdelay $0x4  }
0xb5: {  	[tilespmem:v1+s16+$0x0] =	vst.idx.add.f32.msk $0xffff, v2  }
0xb6: {  	p0 =	sne.s32 s21, $0x9B00;
	v2 =	vld [tilespmem:s22+$0xED40]  }
.Ltmp2:
0xb7: {  	_ = 	snop;
	(pc) =	sbr.rel @p0 .LBB2_6-.Ltmp2, $2  }
0xb8: {  	_ =	sdelay $0x2  }
0xb9: {  	s21 =	sadd.s32 $0x140, s21;
	[tilespmem:v1+s17+$0x0] =	vst.idx.add.f32.msk $0xffff, v2  }
0xba: {  	[hbm4b:s8+s18] =	stream.strided.scatter [tilespmem:s17], [sflag:$0x1], $0x2780, s19, s18, $0x38;
	[tilespmem:$0x16380] =	vst v63  }
0xbb: {  	s20 =	sadd.s32 $0x1, s20  }
0xbc: {  	[hbm4b:s9+s18] =	stream.strided.scatter [tilespmem:s16], [sflag:$0x1], $0x2780, s19, s18, $0x38;
	[tilespmem:$0x16380] =	vst v63  }
0xbd: {  	p0 =	sne.s32 s20, s10;
	_ =	swait.ge [sflag:s15], $0x2780  }
.Ltmp3:
0xbe: {  	[sflag:s15] =	ssyncset.done $0x0;
	(pc) =	sbr.rel @p0 .LBB2_1-.Ltmp3, $4  }
0xbf: {  	[sflag:s15] =	ssyncadd.s32 $0xFFFFD880  }
0xc0: {  	_ =	swait.ge [sflag:s15], $0x2780  }
0xc1: {  	[sflag:s15] =	ssyncset.done $0x0  }
0xc2: {  	[sflag:s15] =	ssyncadd.s32 $0xFFFFD880  }
0xc3: {  	_ =	sfence.sel $0x180000  }
0xc4: {  	[bflag:$0x0] =	sbarrier.arrive $0xFFFF  }
0xc5: {  	p0 =	sne.s32 s1, $0x0;
	_ =	strace $0x90000047  }
0xc6: {  	s0 =	sadd.s32 @!p0 $0x100000, s0;
	[bflag:$0x2] =	sbarrier.arrive $0xFFFF  }
0xc7: {  	[sflag:s0] =	ssyncadd.tile.s32 @!p0 $0x1;
	_ =	shalt  }
.Lfunc_end2:
_tile_overlayer_lowered:
.L_overlay_start_2:
0xc8: {  	(tag) =	ssettag $0x2  }
0xc9: {  	s0 =	rddreg [dreg:$0x0];
	s2 =	stileid.u32  }
0xca: {  	s1 =	rddreg [dreg:$0x1];
	p0 =	sne.s32 s2, $0x0  }
0xcb: {  	s3 =	rddreg [dreg:$0x2];
	[bflag:$0x3] =	sbarrier.arrive $0xFFFF;
	s2 =	simm.s32 @!p0 $0x1C02  }
0xcc: {  	[timem:s3], [sflag:s2] =	dma.local @!p0 [hbm:s0], s1  }
0xcd: {  	s0 =	simm.s32 @!p0 $0x2  }
0xce: {  	_ =	swait.ge @!p0 [sflag:s0], s1  }
0xcf: {  	s1 =	ssub.s32 @!p0 $0x0, s1;
	[sflag:s0] =	ssyncset.done @!p0 $0x0  }
0xd0: {  	[sflag:s0] =	ssyncadd.s32 @!p0 s1  }
0xd1: {  	[bflag:$0x3] =	sbarrier.arrive $0xFFFF  }
0xd2: {  	_ =	shalt  }

</sc_bundles>
